<compile_context>
chip_gen: v7x
topology: tpu7x:2x2x1
jax: 0.10.2.dev20260603
libtpu: 0.0.44.dev20260713+nightly
codegen_flags: <defaults>
</compile_context>

<pallas_src>
import functools

import jax
import jax.numpy as jnp
from jax import lax
from jax.experimental import pallas as pl
from jax.experimental.pallas import tpu as pltpu
from jax.experimental.pallas import tpu_sc as plsc

_N = 262144
_CODESZ = 8
_MP = 3072
_B = 512
_NW = 32
_CH = 128


def _tc_body(x_ref, g2tn_ref, w_ref, imap_ref, intmap_ref, vals_ref, flat_ref, *, m_real):
    x = x_ref[...]
    neg = x < 0.0
    negi = neg.astype(jnp.int32)
    odd = (jnp.sum(negi, axis=1, keepdims=True) & 1) == 1
    col = lax.broadcasted_iota(jnp.int32, x.shape, 1)
    flip0 = jnp.where((col == 0) & odd, -1.0, 1.0)
    xp = jnp.abs(x) * flip0
    mask = (1.0 - 2.0 * neg.astype(jnp.float32)) * flip0

    xp_aug = jnp.concatenate([xp, jnp.ones_like(x[:, :1])], axis=1)
    scores = jnp.dot(xp_aug, g2tn_ref[...],
                     preferred_element_type=jnp.float32)
    smax = jnp.max(scores, axis=1, keepdims=True)
    lane = lax.broadcasted_iota(jnp.int32, scores.shape, 1)
    qidx = jnp.min(jnp.where(scores == smax, lane, _MP), axis=1)[:, None]
    onehot = (lane == qidx).astype(jnp.float32)

    sel = jnp.dot(onehot, w_ref[...], preferred_element_type=jnp.float32)
    vals_ref[...] = sel[:, :_CODESZ] * mask

    signbit = (mask < 0.0).astype(jnp.int32)
    sign_int = jnp.sum(signbit * intmap_ref[...], axis=1, keepdims=True)
    io256 = lax.broadcasted_iota(jnp.int32, (x.shape[0], 256), 1)
    oh256 = (io256 == sign_int).astype(jnp.float32)
    rowf = jnp.dot(oh256, imap_ref[...], preferred_element_type=jnp.float32)
    flat_ref[...] = rowf.astype(jnp.int32) * m_real + qidx


def _tc_call(X, g2tn, w, imap, intmap, m_real, interpret=False):
    n = X.shape[0]
    grid = n // _B
    return pl.pallas_call(
        functools.partial(_tc_body, m_real=m_real),
        grid=(grid,),
        in_specs=[
            pl.BlockSpec((_B, _CODESZ), lambda i: (i, 0)),
            pl.BlockSpec(g2tn.shape, lambda i: (0, 0)),
            pl.BlockSpec(w.shape, lambda i: (0, 0)),
            pl.BlockSpec(imap.shape, lambda i: (0, 0)),
            pl.BlockSpec(intmap.shape, lambda i: (0, 0)),
        ],
        out_specs=[
            pl.BlockSpec((_B, _CODESZ), lambda i: (i, 0)),
            pl.BlockSpec((_B, 1), lambda i: (i, 0)),
        ],
        out_shape=[
            jax.ShapeDtypeStruct((n, _CODESZ), jnp.float32),
            jax.ShapeDtypeStruct((n, 1), jnp.int32),
        ],
        compiler_params=pltpu.CompilerParams(
            dimension_semantics=("arbitrary",),
        ),
        interpret=interpret,
    )(X, g2tn, w, imap, intmap)


def _sc_gather(flat_idx2d, table):
    nrows, ch = flat_idx2d.shape
    r_per_w = nrows // _NW
    mesh = plsc.VectorSubcoreMesh(core_axis_name="c", subcore_axis_name="s")

    @functools.partial(
        pl.kernel,
        mesh=mesh,
        out_type=jax.ShapeDtypeStruct((nrows, ch), jnp.int32),
        scratch_types=[
            pltpu.VMEM((r_per_w, _CH), jnp.int32),
            pltpu.VMEM((r_per_w, _CH), jnp.int32),
            pltpu.SemaphoreType.DMA,
        ],
    )
    def gather_k(idx_hbm, table_hbm, out_hbm, idx_v, out_v, sem):
        wid = lax.axis_index("s") * 2 + lax.axis_index("c")
        base = wid * r_per_w
        pltpu.sync_copy(idx_hbm.at[pl.ds(base, r_per_w)], idx_v)

        def body(i, carry):
            cp = pltpu.async_copy(
                table_hbm.at[idx_v.at[i]],
                out_v.at[i],
                sem,
            )
            cp.wait()
            return carry

        lax.fori_loop(0, r_per_w, body, 0)
        pltpu.sync_copy(out_v, out_hbm.at[pl.ds(base, r_per_w)])

    return gather_k(flat_idx2d, table)


def _prep(grid_part, grid_part_norm, int_map, idx_map):
    m = grid_part.shape[0]
    g2t = jnp.zeros((_CODESZ + 1, _MP), jnp.float32)
    g2t = g2t.at[:_CODESZ, :m].set(2.0 * grid_part.T)
    g2tn = g2t.at[_CODESZ, :].set(
        jnp.full((_MP,), -1e30, jnp.float32).at[:m].set(-grid_part_norm))
    w = jnp.zeros((_MP, 16), jnp.float32)
    w = w.at[:m, :_CODESZ].set(grid_part)
    imap = idx_map.astype(jnp.float32).reshape(256, 1)
    intmap = int_map.astype(jnp.int32).reshape(1, _CODESZ)
    return g2tn, w, imap, intmap


def kernel(X, grid_part, grid_part_norm, int_map, allcombo_idx, idx_map):
    m = grid_part.shape[0]
    g2tn, w, imap, intmap = _prep(grid_part, grid_part_norm, int_map, idx_map)
    vals, flat = _tc_call(X, g2tn, w, imap, intmap, m)
    table = allcombo_idx.astype(jnp.int32).reshape(-1)
    real_idx = _sc_gather(flat.reshape(-1, _CH), table)
    return vals, real_idx.reshape(-1).astype(jnp.int16)

# --- scband reference (transcript-rebuilt; emitter-appended) ---
"""Pipeline reference for scband-e8-codebook-45990509806216 (READ-ONLY COPY).

The authoritative reference and input builder live on the scoring server;
editing this copy changes nothing except your own understanding.
"""

import jax, jax.numpy as jnp
import numpy as np

_CODESZ = 8
_IDX_OFFSET = -2 ** 15
_N = 262144


def _build_e8_buffers():
    # Integer points: entries in range(-4, 4), norm^2 <= 10, even coordinate sum
    vals = np.arange(-4, 4, dtype=np.int8)
    g = np.stack(np.meshgrid(*([vals] * _CODESZ), indexing='ij'), axis=-1).reshape(-1, _CODESZ)
    nrm = np.zeros(g.shape[0], dtype=np.int16)
    sm = np.zeros(g.shape[0], dtype=np.int16)
    for j in range(_CODESZ):
        c = g[:, j].astype(np.int16)
        nrm += c * c
        sm += c
    gi = g[(nrm <= 10) & (sm % 2 == 0)].astype(np.float32)
    # Half-integer points: entries in range(-4,4)+0.5; track doubled integers
    dv = (2 * np.arange(-4, 4) + 1).astype(np.int8)
    h = np.stack(np.meshgrid(*([dv] * _CODESZ), indexing='ij'), axis=-1).reshape(-1, _CODESZ)
    nrm4 = np.zeros(h.shape[0], dtype=np.int16)
    smd = np.zeros(h.shape[0], dtype=np.int16)
    for j in range(_CODESZ):
        c = h[:, j].astype(np.int16)
        nrm4 += c * c
        smd += c
    # norm^2 <= 10  <=>  sum d^2 <= 40 ; sum(h) % 2 == 0  <=>  smd % 4 == 0
    gh = h[(nrm4 <= 40) & (smd % 4 == 0)].astype(np.float32) / 2.0
    grid = np.concatenate([gi, gh], axis=0)
    grid_norm = (grid * grid).sum(axis=-1)
    part_mask = ((grid[:, 1:] < 0).sum(axis=-1) <= 1) & (grid[:, 1:].min(axis=-1) >= -0.5)
    grid_part = grid[part_mask].copy()
    grid_part_norm = (grid_part * grid_part).sum(axis=-1)
    int_map = (2 ** np.arange(_CODESZ)).astype(np.int32)
    # iterate_mask
    bmask = 2 ** np.arange(_CODESZ)
    bits = ((np.arange(256)[:, None] & bmask[None, :]) > 0).astype(np.int32)
    raw_idx = np.where(bits.sum(axis=-1) % 2 == 0)[0]
    flips = (1 - 2 * bits[raw_idx]).astype(np.float32)
    idx_map = np.zeros(256, dtype=np.int32)
    idx_map[raw_idx] = np.arange(raw_idx.shape[0], dtype=np.int32)
    gT2 = np.ascontiguousarray((2.0 * grid).T)
    allcombo_idx = np.zeros((flips.shape[0], grid_part.shape[0]), dtype=np.int16)
    for i in range(flips.shape[0]):
        scores = (flips[i][None, :] * grid_part) @ gT2 - grid_norm[None, :]
        allcombo_idx[i] = (scores.argmax(axis=-1) + _IDX_OFFSET).astype(np.int16)
    return grid, grid_norm, grid_part, grid_part_norm, int_map, allcombo_idx, idx_map


def setup_inputs(seed: int = 0) -> dict:
    key = jax.random.key(seed)
    grid, grid_norm, grid_part, grid_part_norm, int_map, allcombo_idx, idx_map = _build_e8_buffers()
    X = jax.random.normal(key, (_N, _CODESZ), dtype=jnp.float32)
    return {
        'X': X,
        'grid_part': jnp.asarray(grid_part),
        'grid_part_norm': jnp.asarray(grid_part_norm),
        'int_map': jnp.asarray(int_map),
        'allcombo_idx': jnp.asarray(allcombo_idx),
        'idx_map': jnp.asarray(idx_map),
    }


def reference(X, grid_part, grid_part_norm, int_map, allcombo_idx, idx_map):
    # E8_codebook.quantize(X, return_idx=True)
    neg = X < 0
    odd = (neg.sum(axis=-1) % 2) != 0
    X_part = jnp.abs(X)
    X_part = X_part.at[:, 0].set(jnp.where(odd, -X_part[:, 0], X_part[:, 0]))
    mask = 1.0 - 2.0 * neg.astype(jnp.float32)
    mask = mask.at[:, 0].set(jnp.where(odd, -mask[:, 0], mask[:, 0]))
    # round(X_part, grid_part, grid_part_norm)
    scores = 2.0 * (X_part @ grid_part.T) - grid_part_norm[None, :]
    Xqidx = jnp.argmax(scores, axis=-1)
    roundout = jnp.take(grid_part, Xqidx, axis=0)
    vals = roundout * mask
    sign_int = (int_map[None, :] * ((1.0 - mask) / 2.0).astype(jnp.int32)).sum(axis=-1)
    real_idx = allcombo_idx[idx_map[sign_int], Xqidx]
    return vals, real_idx

if __name__ == "__main__":
    import jax
    _d = setup_inputs()
    print(jax.jit(kernel)(*tuple(_d.values())))

</pallas_src>

<mosaic_0001>
#map = affine_map<(d0, d1) -> (0, 0)>
#map1 = affine_map<(d0, d1) -> (0)>
module attributes {stable_mosaic.version = 14 : i64} {
  func.func @gather_k(%arg0: i32, %arg1: i32, %arg2: memref<2048x128xi32, #tpu.memory_space<hbm>>, %arg3: memref<382720xi32, #tpu.memory_space<hbm>>, %arg4: memref<2048x128xi32, #tpu.memory_space<hbm>>, %arg5: memref<64x128xi32, #tpu.memory_space<vmem>>, %arg6: memref<64x128xi32, #tpu.memory_space<vmem>>, %arg7: memref<!tpu.dma_semaphore, #tpu.memory_space<semaphore_mem>>) attributes {dimension_semantics = [#tpu.dimension_semantics<core_parallel>, #tpu.dimension_semantics<subcore_parallel>], iteration_bounds = array<i64: 2, 16>, scalar_prefetch = 0 : i64, scratch_operands = 3 : i64, tpu.core_type = #tpu.core_type<sc_vector_subcore>, window_params = [{transform_indices = #map}, {transform_indices = #map1}, {transform_indices = #map}]} {
    %mul3A = arith.constant 2 : i32
    %mul3A_0 = arith.muli %arg1, %mul3A : i32
    %add3A = arith.addi %mul3A_0, %arg0 : i32
    %mul3A_1 = arith.constant 64 : i32
    %mul3A_2 = arith.muli %add3A, %mul3A_1 : i32
    "tpu.region"() ({
      %run_scoped3A = tpu.sem_alloc : memref<!tpu.dma_semaphore, #tpu.memory_space<semaphore_mem>>
      %dma_start3A = arith.constant 0 : i32
      %dma_start3A_8 = tpu.memref_slice %arg2[%mul3A_2, %dma_start3A] : memref<2048x128xi32, #tpu.memory_space<hbm>> -> memref<64x128xi32, #tpu.memory_space<hbm>>
      %dma_start3A_9 = arith.constant 0 : i32
      %dma_start3A_10 = tpu.memref_slice %arg2[%mul3A_2, %dma_start3A_9] : memref<2048x128xi32, #tpu.memory_space<hbm>> -> memref<64x128xi32, #tpu.memory_space<hbm>>
      tpu.enqueue_dma source(%dma_start3A_10 : memref<64x128xi32, #tpu.memory_space<hbm>>) target(%arg5 : memref<64x128xi32, #tpu.memory_space<vmem>>) target_semaphore(%run_scoped3A : memref<!tpu.dma_semaphore, #tpu.memory_space<semaphore_mem>>)
      %dma_wait3A = arith.constant 0 : i32
      %dma_wait3A_11 = tpu.memref_slice %arg2[%mul3A_2, %dma_wait3A] : memref<2048x128xi32, #tpu.memory_space<hbm>> -> memref<64x128xi32, #tpu.memory_space<hbm>>
      %dma_wait3A_12 = arith.constant 0 : i32
      %dma_wait3A_13 = tpu.memref_slice %arg2[%mul3A_2, %dma_wait3A_12] : memref<2048x128xi32, #tpu.memory_space<hbm>> -> memref<64x128xi32, #tpu.memory_space<hbm>>
      tpu.wait_dma2 semaphore(%run_scoped3A : memref<!tpu.dma_semaphore, #tpu.memory_space<semaphore_mem>>) src(%dma_wait3A_13 : memref<64x128xi32, #tpu.memory_space<hbm>>) dst(%arg5 : memref<64x128xi32, #tpu.memory_space<vmem>>)
      tpu.yield
    }) : () -> ()
    %scan3A = arith.constant 0 : i32
    %scan3A_3 = arith.constant 0 : i32
    %scan3A_4 = arith.constant 64 : i32
    %scan3A_5 = arith.addi %scan3A_3, %scan3A_4 : i32
    %scan3A_6 = arith.constant 1 : i32
    scf.for %scan3A_8 = %scan3A_3 to %scan3A_5 step %scan3A_6  : i32 {
      %dma_start3A = arith.constant 0 : i32
      %dma_start3A_9 = tpu.memref_slice %arg6[%scan3A_8, %dma_start3A] : memref<64x128xi32, #tpu.memory_space<vmem>> -> memref<1x128xi32, #tpu.memory_space<vmem>>
      %dma_start3A_10 = tpu.memref_squeeze %dma_start3A_9 : memref<1x128xi32, #tpu.memory_space<vmem>> -> memref<128xi32, #tpu.memory_space<vmem>>
      %dma_start3A_11 = arith.constant 0 : i32
      %dma_start3A_12 = tpu.memref_slice %arg5[%scan3A_8, %dma_start3A_11] : memref<64x128xi32, #tpu.memory_space<vmem>> -> memref<1x128xi32, #tpu.memory_space<vmem>>
      %dma_start3A_13 = tpu.memref_squeeze %dma_start3A_12 : memref<1x128xi32, #tpu.memory_space<vmem>> -> memref<128xi32, #tpu.memory_space<vmem>>
      %dma_start3A_14 = arith.constant 0 : i32
      %dma_start3A_15 = tpu.memref_slice %arg3[%dma_start3A_14] : memref<382720xi32, #tpu.memory_space<hbm>> -> memref<382720xi32, #tpu.memory_space<hbm>>
      tpu.enqueue_indirect_dma source(%dma_start3A_15 : memref<382720xi32, #tpu.memory_space<hbm>>) target(%dma_start3A_10 : memref<128xi32, #tpu.memory_space<vmem>>) offsets(%dma_start3A_13 : memref<128xi32, #tpu.memory_space<vmem>>) semaphore(%arg7 : memref<!tpu.dma_semaphore, #tpu.memory_space<semaphore_mem>>)
      %dma_wait3A = arith.constant 0 : i32
      %dma_wait3A_16 = tpu.memref_slice %arg6[%scan3A_8, %dma_wait3A] : memref<64x128xi32, #tpu.memory_space<vmem>> -> memref<1x128xi32, #tpu.memory_space<vmem>>
      %dma_wait3A_17 = tpu.memref_squeeze %dma_wait3A_16 : memref<1x128xi32, #tpu.memory_space<vmem>> -> memref<128xi32, #tpu.memory_space<vmem>>
      %dma_wait3A_18 = arith.constant 0 : i32
      %dma_wait3A_19 = tpu.memref_slice %arg5[%scan3A_8, %dma_wait3A_18] : memref<64x128xi32, #tpu.memory_space<vmem>> -> memref<1x128xi32, #tpu.memory_space<vmem>>
      %dma_wait3A_20 = tpu.memref_squeeze %dma_wait3A_19 : memref<1x128xi32, #tpu.memory_space<vmem>> -> memref<128xi32, #tpu.memory_space<vmem>>
      %dma_wait3A_21 = arith.constant 0 : i32
      %dma_wait3A_22 = tpu.memref_slice %arg3[%dma_wait3A_21] : memref<382720xi32, #tpu.memory_space<hbm>> -> memref<382720xi32, #tpu.memory_space<hbm>>
      tpu.wait_indirect_dma semaphore(%arg7 : memref<!tpu.dma_semaphore, #tpu.memory_space<semaphore_mem>>) src(%dma_wait3A_22 : memref<382720xi32, #tpu.memory_space<hbm>>) dst(%dma_wait3A_17 : memref<128xi32, #tpu.memory_space<vmem>>)
    }
    %scan3A_7 = arith.constant 64 : i32
    "tpu.region"() ({
      %run_scoped3A = tpu.sem_alloc : memref<!tpu.dma_semaphore, #tpu.memory_space<semaphore_mem>>
      %dma_start3A = arith.constant 0 : i32
      %dma_start3A_8 = tpu.memref_slice %arg4[%mul3A_2, %dma_start3A] : memref<2048x128xi32, #tpu.memory_space<hbm>> -> memref<64x128xi32, #tpu.memory_space<hbm>>
      %dma_start3A_9 = arith.constant 0 : i32
      %dma_start3A_10 = tpu.memref_slice %arg4[%mul3A_2, %dma_start3A_9] : memref<2048x128xi32, #tpu.memory_space<hbm>> -> memref<64x128xi32, #tpu.memory_space<hbm>>
      tpu.enqueue_dma source(%arg6 : memref<64x128xi32, #tpu.memory_space<vmem>>) target(%dma_start3A_10 : memref<64x128xi32, #tpu.memory_space<hbm>>) target_semaphore(%run_scoped3A : memref<!tpu.dma_semaphore, #tpu.memory_space<semaphore_mem>>)
      %dma_wait3A = arith.constant 0 : i32
      %dma_wait3A_11 = tpu.memref_slice %arg4[%mul3A_2, %dma_wait3A] : memref<2048x128xi32, #tpu.memory_space<hbm>> -> memref<64x128xi32, #tpu.memory_space<hbm>>
      %dma_wait3A_12 = arith.constant 0 : i32
      %dma_wait3A_13 = tpu.memref_slice %arg4[%mul3A_2, %dma_wait3A_12] : memref<2048x128xi32, #tpu.memory_space<hbm>> -> memref<64x128xi32, #tpu.memory_space<hbm>>
      tpu.wait_dma2 semaphore(%run_scoped3A : memref<!tpu.dma_semaphore, #tpu.memory_space<semaphore_mem>>) src(%arg6 : memref<64x128xi32, #tpu.memory_space<vmem>>) dst(%dma_wait3A_13 : memref<64x128xi32, #tpu.memory_space<hbm>>)
      tpu.yield
    }) : () -> ()
    return
  }
}

module attributes {stable_mosaic.version = 14 : i64} {
  func.func @_tc_body(%arg0: i32, %arg1: memref<512x8xf32, #tpu.memory_space<vmem>>, %arg2: memref<9x3072xf32, #tpu.memory_space<vmem>>, %arg3: memref<3072x16xf32, #tpu.memory_space<vmem>>, %arg4: memref<256x1xf32, #tpu.memory_space<vmem>>, %arg5: memref<1x8xi32, #tpu.memory_space<vmem>>, %arg6: memref<512x8xf32, #tpu.memory_space<vmem>>, %arg7: memref<512x1xi32, #tpu.memory_space<vmem>>) attributes {dimension_semantics = [#tpu.dimension_semantics<arbitrary>], iteration_bounds = array<i64: 512>, scalar_prefetch = 0 : i64, scratch_operands = 0 : i64, tpu.core_type = #tpu.core_type<tc>, window_params = [{transform_indices = @transform_0, window_bounds = array<i64: 512, 8>}, {pipeline_mode = #tpu.pipeline_mode<synchronous>, transform_indices = @transform_1, window_bounds = array<i64: 9, 3072>}, {pipeline_mode = #tpu.pipeline_mode<synchronous>, transform_indices = @transform_2, window_bounds = array<i64: 3072, 16>}, {pipeline_mode = #tpu.pipeline_mode<synchronous>, transform_indices = @transform_3, window_bounds = array<i64: 256, 1>}, {pipeline_mode = #tpu.pipeline_mode<synchronous>, transform_indices = @transform_4, window_bounds = array<i64: 1, 8>}, {transform_indices = @transform_5, window_bounds = array<i64: 512, 8>}, {transform_indices = @transform_6, window_bounds = array<i64: 512, 1>}]} {
    %get3A = arith.constant 0 : index
    %get3A_0 = arith.constant 0 : index
    %get3A_1 = vector.load %arg1[%get3A, %get3A_0] : memref<512x8xf32, #tpu.memory_space<vmem>>, vector<512x8xf32>
    %lt3A = arith.constant 0.000000e+00 : f32
    %lt3A_2 = vector.broadcast %lt3A : f32 to vector<512x8xf32>
    %lt3A_3 = arith.cmpf olt, %get3A_1, %lt3A_2 : vector<512x8xf32>
    %convert_element_type3A = arith.extui %lt3A_3 : vector<512x8xi1> to vector<512x8xi32>
    %reduce_sum3A = arith.constant dense<0> : vector<512xi32>
    %reduce_sum3A_4 = vector.multi_reduction <add>, %convert_element_type3A, %reduce_sum3A [1] : vector<512x8xi32> to vector<512xi32>
    %broadcast_in_dim3A = vector.shape_cast %reduce_sum3A_4 : vector<512xi32> to vector<512x1xi32>
    %and3A = arith.constant 1 : i32
    %and3A_5 = vector.broadcast %and3A : i32 to vector<512x1xi32>
    %and3A_6 = arith.andi %broadcast_in_dim3A, %and3A_5 : vector<512x1xi32>
    %eq3A = arith.constant 1 : i32
    %eq3A_7 = vector.broadcast %eq3A : i32 to vector<512x1xi32>
    %eq3A_8 = arith.cmpi eq, %and3A_6, %eq3A_7 : vector<512x1xi32>
    %iota3A = tpu.iota {dimensions = array<i32: 1>} : vector<512x8xi32>
    %eq3A_9 = arith.constant 0 : i32
    %eq3A_10 = vector.broadcast %eq3A_9 : i32 to vector<512x8xi32>
    %eq3A_11 = arith.cmpi eq, %iota3A, %eq3A_10 : vector<512x8xi32>
    %and3A_12 = vector.broadcast %eq3A_8 : vector<512x1xi1> to vector<512x8xi1>
    %and3A_13 = arith.andi %eq3A_11, %and3A_12 : vector<512x8xi1>
    %jit3A = arith.constant -1.000000e+00 : f32
    %jit3A_14 = arith.constant 1.000000e+00 : f32
    %broadcast_in_dim3A_15 = vector.broadcast %jit3A : f32 to vector<512x8xf32>
    %broadcast_in_dim3A_16 = vector.broadcast %jit3A_14 : f32 to vector<512x8xf32>
    %select_n3A = arith.select %and3A_13, %broadcast_in_dim3A_15, %broadcast_in_dim3A_16 : vector<512x8xi1>, vector<512x8xf32>
    %abs3A = math.absf %get3A_1 : vector<512x8xf32>
    %mul3A = arith.mulf %abs3A, %select_n3A : vector<512x8xf32>
    %convert_element_type3A_17 = arith.extui %lt3A_3 : vector<512x8xi1> to vector<512x8xi32>
    %convert_element_type3A_18 = arith.sitofp %convert_element_type3A_17 : vector<512x8xi32> to vector<512x8xf32>
    %mul3A_19 = arith.constant 2.000000e+00 : f32
    %mul3A_20 = vector.broadcast %mul3A_19 : f32 to vector<512x8xf32>
    %mul3A_21 = arith.mulf %mul3A_20, %convert_element_type3A_18 : vector<512x8xf32>
    %sub3A = arith.constant 1.000000e+00 : f32
    %sub3A_22 = vector.broadcast %sub3A : f32 to vector<512x8xf32>
    %sub3A_23 = arith.subf %sub3A_22, %mul3A_21 : vector<512x8xf32>
    %mul3A_24 = arith.mulf %sub3A_23, %select_n3A : vector<512x8xf32>
    %broadcast_in_dim3A_25 = arith.constant 1.000000e+00 : f32
    %broadcast_in_dim3A_26 = vector.broadcast %broadcast_in_dim3A_25 : f32 to vector<512x1xf32>
    %concatenate3A = tpu.concatenate %mul3A, %broadcast_in_dim3A_26 in 1 : vector<512x8xf32>, vector<512x1xf32> -> vector<512x9xf32>
    %get3A_27 = arith.constant 0 : index
    %get3A_28 = arith.constant 0 : index
    %get3A_29 = vector.load %arg2[%get3A_27, %get3A_28] : memref<9x3072xf32, #tpu.memory_space<vmem>>, vector<9x3072xf32>
    %dot_general3A = arith.constant dense<0.000000e+00> : vector<512x3072xf32>
    %dot_general3A_30 = tpu.matmul %concatenate3A, %get3A_29, %dot_general3A {dimension_numbers = #tpu.dot_dimension_numbers<[1], [0], [0], [1], [0, 0, 1, 1], [], []>, transpose_lhs_hint = false} : vector<512x9xf32>, vector<9x3072xf32>, vector<512x3072xf32> -> vector<512x3072xf32>
    %reduce_max3A = arith.constant dense<0xFF800000> : vector<512xf32>
    %reduce_max3A_31 = vector.multi_reduction <maximumf>, %dot_general3A_30, %reduce_max3A [1] : vector<512x3072xf32> to vector<512xf32>
    %broadcast_in_dim3A_32 = vector.shape_cast %reduce_max3A_31 : vector<512xf32> to vector<512x1xf32>
    %iota3A_33 = tpu.iota {dimensions = array<i32: 1>} : vector<512x3072xi32>
    %eq3A_34 = vector.broadcast %broadcast_in_dim3A_32 : vector<512x1xf32> to vector<512x3072xf32>
    %eq3A_35 = arith.cmpf oeq, %dot_general3A_30, %eq3A_34 : vector<512x3072xf32>
    %jit3A_36 = arith.constant 3072 : i32
    %broadcast_in_dim3A_37 = vector.broadcast %jit3A_36 : i32 to vector<512x3072xi32>
    %select_n3A_38 = arith.select %eq3A_35, %iota3A_33, %broadcast_in_dim3A_37 : vector<512x3072xi1>, vector<512x3072xi32>
    %reduce_min3A = arith.constant dense<2147483647> : vector<512xi32>
    %reduce_min3A_39 = vector.multi_reduction <minsi>, %select_n3A_38, %reduce_min3A [1] : vector<512x3072xi32> to vector<512xi32>
    %broadcast_in_dim3A_40 = vector.shape_cast %reduce_min3A_39 : vector<512xi32> to vector<512x1xi32>
    %eq3A_41 = vector.broadcast %broadcast_in_dim3A_40 : vector<512x1xi32> to vector<512x3072xi32>
    %eq3A_42 = arith.cmpi eq, %iota3A_33, %eq3A_41 : vector<512x3072xi32>
    %convert_element_type3A_43 = arith.extui %eq3A_42 : vector<512x3072xi1> to vector<512x3072xi32>
    %convert_element_type3A_44 = arith.sitofp %convert_element_type3A_43 : vector<512x3072xi32> to vector<512x3072xf32>
    %get3A_45 = arith.constant 0 : index
    %get3A_46 = arith.constant 0 : index
    %get3A_47 = vector.load %arg3[%get3A_45, %get3A_46] : memref<3072x16xf32, #tpu.memory_space<vmem>>, vector<3072x16xf32>
    %dot_general3A_48 = arith.constant dense<0.000000e+00> : vector<512x16xf32>
    %dot_general3A_49 = tpu.matmul %convert_element_type3A_44, %get3A_47, %dot_general3A_48 {dimension_numbers = #tpu.dot_dimension_numbers<[1], [0], [0], [1], [0, 0, 1, 1], [], []>, transpose_lhs_hint = false} : vector<512x3072xf32>, vector<3072x16xf32>, vector<512x16xf32> -> vector<512x16xf32>
    %slice3A = vector.extract_strided_slice %dot_general3A_49 {offsets = [0, 0], sizes = [512, 8], strides = [1, 1]} : vector<512x16xf32> to vector<512x8xf32>
    %mul3A_50 = arith.mulf %slice3A, %mul3A_24 : vector<512x8xf32>
    %swap3A = arith.constant 0 : index
    %swap3A_51 = arith.constant 0 : index
    %swap3A_52 = vector.load %arg6[%swap3A, %swap3A_51] : memref<512x8xf32, #tpu.memory_space<vmem>>, vector<512x8xf32>
    tpu.vector_store %arg6[%swap3A, %swap3A_51], %mul3A_50 {strides = array<i32>} : memref<512x8xf32, #tpu.memory_space<vmem>>, vector<512x8xf32>,
    %lt3A_53 = arith.constant 0.000000e+00 : f32
    %lt3A_54 = vector.broadcast %lt3A_53 : f32 to vector<512x8xf32>
    %lt3A_55 = arith.cmpf olt, %mul3A_24, %lt3A_54 : vector<512x8xf32>
    %convert_element_type3A_56 = arith.extui %lt3A_55 : vector<512x8xi1> to vector<512x8xi32>
    %get3A_57 = arith.constant 0 : index
    %get3A_58 = arith.constant 0 : index
    %get3A_59 = vector.load %arg5[%get3A_57, %get3A_58] : memref<1x8xi32, #tpu.memory_space<vmem>>, vector<1x8xi32>
    %mul3A_60 = vector.broadcast %get3A_59 : vector<1x8xi32> to vector<512x8xi32>
    %mul3A_61 = arith.muli %convert_element_type3A_56, %mul3A_60 : vector<512x8xi32>
    %reduce_sum3A_62 = arith.constant dense<0> : vector<512xi32>
    %reduce_sum3A_63 = vector.multi_reduction <add>, %mul3A_61, %reduce_sum3A_62 [1] : vector<512x8xi32> to vector<512xi32>
    %broadcast_in_dim3A_64 = vector.shape_cast %reduce_sum3A_63 : vector<512xi32> to vector<512x1xi32>
    %iota3A_65 = tpu.iota {dimensions = array<i32: 1>} : vector<512x256xi32>
    %eq3A_66 = vector.broadcast %broadcast_in_dim3A_64 : vector<512x1xi32> to vector<512x256xi32>
    %eq3A_67 = arith.cmpi eq, %iota3A_65, %eq3A_66 : vector<512x256xi32>
    %convert_element_type3A_68 = arith.extui %eq3A_67 : vector<512x256xi1> to vector<512x256xi32>
    %convert_element_type3A_69 = arith.sitofp %convert_element_type3A_68 : vector<512x256xi32> to vector<512x256xf32>
    %get3A_70 = arith.constant 0 : index
    %get3A_71 = arith.constant 0 : index
    %get3A_72 = vector.load %arg4[%get3A_70, %get3A_71] : memref<256x1xf32, #tpu.memory_space<vmem>>, vector<256x1xf32>
    %dot_general3A_73 = arith.constant dense<0.000000e+00> : vector<512x1xf32>
    %dot_general3A_74 = tpu.matmul %convert_element_type3A_69, %get3A_72, %dot_general3A_73 {dimension_numbers = #tpu.dot_dimension_numbers<[1], [0], [0], [1], [0, 0, 1, 1], [], []>, transpose_lhs_hint = false} : vector<512x256xf32>, vector<256x1xf32>, vector<512x1xf32> -> vector<512x1xf32>
    %convert_element_type3A_75 = arith.fptosi %dot_general3A_74 : vector<512x1xf32> to vector<512x1xi32>
    %mul3A_76 = arith.constant 2990 : i32
    %mul3A_77 = vector.broadcast %mul3A_76 : i32 to vector<512x1xi32>
    %mul3A_78 = arith.muli %convert_element_type3A_75, %mul3A_77 : vector<512x1xi32>
    %add3A = arith.addi %mul3A_78, %broadcast_in_dim3A_40 : vector<512x1xi32>
    %swap3A_79 = arith.constant 0 : index
    %swap3A_80 = arith.constant 0 : index
    %swap3A_81 = vector.load %arg7[%swap3A_79, %swap3A_80] : memref<512x1xi32, #tpu.memory_space<vmem>>, vector<512x1xi32>
    tpu.vector_store %arg7[%swap3A_79, %swap3A_80], %add3A {strides = array<i32>} : memref<512x1xi32, #tpu.memory_space<vmem>>, vector<512x1xi32>,
    return
  }
  func.func @transform_0(%arg0: i32) -> (i32, i32) {
    %c0_i32 = arith.constant 0 : i32
    %c0_i32_0 = arith.constant 0 : i32
    return %arg0, %c0_i32 : i32, i32
  }
  func.func @transform_1(%arg0: i32) -> (i32, i32) {
    %c0_i32 = arith.constant 0 : i32
    %c0_i32_0 = arith.constant 0 : i32
    %c0_i32_1 = arith.constant 0 : i32
    return %c0_i32, %c0_i32_0 : i32, i32
  }
  func.func @transform_2(%arg0: i32) -> (i32, i32) {
    %c0_i32 = arith.constant 0 : i32
    %c0_i32_0 = arith.constant 0 : i32
    %c0_i32_1 = arith.constant 0 : i32
    return %c0_i32, %c0_i32_0 : i32, i32
  }
  func.func @transform_3(%arg0: i32) -> (i32, i32) {
    %c0_i32 = arith.constant 0 : i32
    %c0_i32_0 = arith.constant 0 : i32
    %c0_i32_1 = arith.constant 0 : i32
    return %c0_i32, %c0_i32_0 : i32, i32
  }
  func.func @transform_4(%arg0: i32) -> (i32, i32) {
    %c0_i32 = arith.constant 0 : i32
    %c0_i32_0 = arith.constant 0 : i32
    %c0_i32_1 = arith.constant 0 : i32
    return %c0_i32, %c0_i32_0 : i32, i32
  }
  func.func @transform_5(%arg0: i32) -> (i32, i32) {
    %c0_i32 = arith.constant 0 : i32
    %c0_i32_0 = arith.constant 0 : i32
    return %arg0, %c0_i32 : i32, i32
  }
  func.func @transform_6(%arg0: i32) -> (i32, i32) {
    %c0_i32 = arith.constant 0 : i32
    %c0_i32_0 = arith.constant 0 : i32
    return %arg0, %c0_i32 : i32, i32
  }
}

</mosaic_0001>

<sc_bundles>
// kernel: kernel.4.cloned.1.call-start
scs
__scs_entry_jumppad:
0x0: {  	(pc) =	sbr.rel $0x88, $3  }
0x1: {  	(tag) =	ssettag $0x0;
	lr =	simm.s32 $0x1  }
0x2: {  	[smem:$0x3F9B] =	sst lr;
	_ =	strace $0xD0000000  }
0x3: {  	_ = 	snop  }
0x4: {  	_ = 	snop  }
0x5: {  	_ = 	snop  }
0x6: {  	_ = 	snop  }
0x7: {  	_ = 	snop  }
__scs_overlays_trampoline_lowered:
0x8: {  	[smem:$0x3FAA] =	sst s0  }
0x9: {  	[smem:$0x3FAB] =	sst s1  }
0xa: {  	[smem:$0x3FAC] =	sst s2  }
0xb: {  	[smem:$0x3FAD] =	sst s3  }
0xc: {  	[smem:$0x3FAE] =	sst s4  }
0xd: {  	[smem:$0x3FAF] =	sst s5  }
0xe: {  	[smem:$0x3FB0] =	sst s6  }
0xf: {  	[smem:$0x3FB1] =	sst s7  }
0x10: {  	[smem:$0x3FB2] =	sst s8  }
0x11: {  	[smem:$0x3FB3] =	sst s9;
	s0 =	simm.s32 @!p0 $0x0  }
0x12: {  	s1 =	sld [smem:$0x3F99];
	s0 =	simm.s32 @p0 $0x1  }
0x13: {  	[smem:$0x3FB4] =	sst s0;
	s0 =	simm.s32 @!p1 $0x0  }
0x14: {  	s2 =	sld [smem:$0x3F98];
	s0 =	simm.s32 @p1 $0x1  }
0x15: {  	[smem:$0x3FB5] =	sst s0;
	s0 =	simm.s32 @!p2 $0x0  }
0x16: {  	s3 =	sld [smem:$0x3FDB];
	s0 =	simm.s32 @p2 $0x1  }
0x17: {  	s4 =	simm.s32 $0x1BF5;
	[smem:$0x3FB7] =	sst s0  }
0x18: {  	s0 =	sld [smem:$0x3F9A];
	_ =	swait.ge [sflag:s4], $0x0  }
0x19: {  	s7 =	sld [smem:$0x3F9B]  }
0x1a: {  	s8 =	sadd.s32 $0xFFFFE003, lr  }
0x1b: {  	s9 =	sadd.s32 $0xFFFFFEF7, lr;
	s5 =	simm.s32 $0xFFFFFFFF;
	p2 =	slt.u32 s8, $0xFFFFF086  }
0x1c: {  	p1 =	slt.u32 s9, $0xF7A;
	s5 =	simm.s32 @!p2 $0x0  }
0x1d: {  	s5 =	simm.s32 @p1 $0x1;
	p0 =	seq.s32 s7, s2  }
0x1e: {  	s7 =	smul.u32 @!p0 $0xF7A, s2;
	p2 =	seq.s32 @!p0 s5, $0x0  }
0x1f: {  	s9 =	smul.u32 $0xF7A, s1;
	s8 =	simm.s32 @!p0 $0x1BF5;
	p2 =	por !p2, p0  }
0x20: {  	[sflag:s8] =	ssyncset.s32 @!p0 $0xFFFFF086;
	s6 =	sadd.s32 @!p0 s3, s7;
	s7 =	simm.s32 @!p0 $0x108  }
0x21: {  	s3 =	sadd.s32 s3, s9;
	s6 =	sadd.s32 @!p0 $0x88, s6;
	s7 =	simm.s32 @p2 $0x1082  }
0x22: {  	[simem:s7], [sflag:s8] =	dma.local @!p0 [hbm:s6], $0xF7A  }
0x23: {  	s9 =	sor.u32 $0xD0000000, s2;
	s6 =	simm.s32 $0x108;
	_ =	swait.ge @!p0 [sflag:s8], $0x0  }
0x24: {  	s3 =	sadd.s32 $0x88, s3;
	s6 =	simm.s32 @!p1 $0x1082;
	[sflag:s4] =	ssyncset.s32 $0xFFFFF086  }
0x25: {  	[simem:s6], [sflag:s4] =	dma.local [hbm:s3], $0xF7A  }
0x26: {  	[smem:$0x3F9B] =	sst s1;
	(tag) =	ssettag s2;
	_ =	strace s9  }
0x27: {  	s1 =	sld [smem:$0x3FAB]  }
0x28: {  	s2 =	sld [smem:$0x3FAC]  }
0x29: {  	s4 =	sld [smem:$0x3FAE]  }
0x2a: {  	p0 =	seq.s32 s5, $0x0;
	s5 =	sld [smem:$0x3FAF]  }
0x2b: {  	s6 =	sld [smem:$0x3FB0]  }
0x2c: {  	s7 =	sld [smem:$0x3FB1]  }
0x2d: {  	s3 =	simm.s32 $0x108;
	s8 =	sld [smem:$0x3FB2]  }
0x2e: {  	s3 =	simm.s32 @!p0 $0x1082;
	s9 =	sld [smem:$0x3FB3]  }
0x2f: {  	lr =	sadd.s32 s0, s3;
	s0 =	sld [smem:$0x3FAA]  }
0x30: {  	s3 =	sld [smem:$0x3FAD]  }
0x31: {  	[smem:$0x3FB6] =	sst s10  }
0x32: {  	s10 =	sld [smem:$0x3FB4];
	_ =	sdelay $0x3  }
0x33: {  	p0 =	seq.s32 s10, $0x1;
	s10 =	sld [smem:$0x3FB6];
	_ =	sdelay $0x3  }
0x34: {  	[smem:$0x3FB6] =	sst s10  }
0x35: {  	s10 =	sld [smem:$0x3FB5];
	_ =	sdelay $0x3  }
0x36: {  	p1 =	seq.s32 s10, $0x1;
	s10 =	sld [smem:$0x3FB6];
	_ =	sdelay $0x3  }
0x37: {  	[smem:$0x3FB6] =	sst s10  }
0x38: {  	s10 =	sld [smem:$0x3FB7]  }
0x39: {  	_ = 	snop;
	(pc) =	sbr.ind lr, $3  }
0x3a: {  	_ = 	snop  }
0x3b: {  	_ = 	snop  }
0x3c: {  	p2 =	seq.s32 s10, $0x1;
	s10 =	sld [smem:$0x3FB6]  }
0x3d: {  	_ =	shalt  }
0x3e: {  	_ =	shalt  }
0x3f: {  	_ =	shalt  }
0x40: {  	_ =	shalt  }
0x41: {  	_ =	shalt  }
0x42: {  	_ =	shalt  }
0x43: {  	_ =	shalt  }
0x44: {  	_ =	shalt  }
0x45: {  	_ =	shalt  }
0x46: {  	_ =	shalt  }
0x47: {  	_ =	shalt  }
0x48: {  	_ =	shalt  }
0x49: {  	_ =	shalt  }
0x4a: {  	_ =	shalt  }
0x4b: {  	_ =	shalt  }
0x4c: {  	_ =	shalt  }
0x4d: {  	_ =	shalt  }
0x4e: {  	_ =	shalt  }
0x4f: {  	_ =	shalt  }
0x50: {  	_ =	shalt  }
0x51: {  	_ =	shalt  }
0x52: {  	_ =	shalt  }
0x53: {  	_ =	shalt  }
0x54: {  	_ =	shalt  }
0x55: {  	_ =	shalt  }
0x56: {  	_ =	shalt  }
0x57: {  	_ =	shalt  }
0x58: {  	_ =	shalt  }
0x59: {  	_ =	shalt  }
0x5a: {  	_ =	shalt  }
0x5b: {  	_ =	shalt  }
0x5c: {  	_ =	shalt  }
0x5d: {  	_ =	shalt  }
0x5e: {  	_ =	shalt  }
0x5f: {  	_ =	shalt  }
0x60: {  	_ =	shalt  }
0x61: {  	_ =	shalt  }
0x62: {  	_ =	shalt  }
0x63: {  	_ =	shalt  }
0x64: {  	_ =	shalt  }
0x65: {  	_ =	shalt  }
0x66: {  	_ =	shalt  }
0x67: {  	_ =	shalt  }
0x68: {  	_ =	shalt  }
0x69: {  	_ =	shalt  }
0x6a: {  	_ =	shalt  }
0x6b: {  	_ =	shalt  }
0x6c: {  	_ =	shalt  }
0x6d: {  	_ =	shalt  }
0x6e: {  	_ =	shalt  }
0x6f: {  	_ =	shalt  }
0x70: {  	_ =	shalt  }
0x71: {  	_ =	shalt  }
0x72: {  	_ =	shalt  }
0x73: {  	_ =	shalt  }
0x74: {  	_ =	shalt  }
0x75: {  	_ =	shalt  }
0x76: {  	_ =	shalt  }
0x77: {  	_ =	shalt  }
0x78: {  	_ =	shalt  }
0x79: {  	_ =	shalt  }
0x7a: {  	_ =	shalt  }
0x7b: {  	_ =	shalt  }
0x7c: {  	_ =	shalt  }
0x7d: {  	_ =	shalt  }
0x7e: {  	_ =	shalt  }
0x7f: {  	_ =	shalt  }
0x80: {  	_ =	shalt  }
0x81: {  	_ =	shalt  }
0x82: {  	_ =	shalt  }
0x83: {  	_ =	shalt  }
0x84: {  	_ =	shalt  }
0x85: {  	_ =	shalt  }
0x86: {  	_ =	shalt  }
0x87: {  	_ =	shalt  }
.Lfunc_end0:
.L_simem_size_0:
called_computation_lowered:
.L_overlay_start_0:
0x88: {  	s2 =	sld [smem:$0x3FD9]  }
0x89: {  	s3 =	sld [smem:$0x3FFE];
	_ =	sdelay $0x1  }
0x8a: {  	s1 =	srdreg.scid  }
0x8b: {  	s0 =	sand.u32 $0x1, s1  }
0x8c: {  	s16 =	sshll.u32 s0, $0xA;
	s2 =	sadd.s32 s3, s2  }
0x8d: {  	s2 =	sadd.s32 s2, s16  }
0x8e: {  	[smem:$0x3FC2] =	sst s2  }
0x8f: {  	_ = 	snop  }
0x90: {  	(tm) =	ssettm $0x1  }
0x91: {  	s17 =	sld [smem:$0x3FFB];
	_ =	sdelay $0x3  }
0x92: {  	_ =	strace s17  }
0x93: {  	s2 =	sld [smem:$0x3FFC];
	_ =	sdelay $0x3  }
0x94: {  	_ =	strace s2  }
0x95: {  	s2 =	sld [smem:$0x3FFD];
	_ =	sdelay $0x3  }
0x96: {  	_ =	strace s2  }
0x97: {  	_ =	strace $0x8FFFFFFF  }
0x98: {  	s18 =	sld [smem:$0x3FDB];
	_ =	sdelay $0x1  }
0x99: {  	s19 =	simm.s32 $_scs_section_size  }
0x9a: {  	s4 =	simm.s32 $_size__tile_overlayer_lowered;
	s5 =	simm.s32 $_tile_overlayer_lowered  }
0x9b: {  	s22 =	simm.s32 $0x1BFF;
	s21 =	sshll.u32 s5, $0x1;
	s2 =	sadd.s32 s19, s18  }
0x9c: {  	s6 =	simm.s32 $0x0;
	s20 =	sshll.u32 s4, $0x1;
	s4 =	sadd.s32 s21, s2  }
0x9d: {  	[timem:s6], [sflag:s22] =	dma.local [hbm:s4], s20  }
0x9e: {  	_ =	swait.ge [sflag:s22], s20  }
0x9f: {  	s3 =	ssub.s32 $0x0, s20;
	[sflag:s22] =	ssyncset.done $0x0  }
0xa0: {  	[sflag:s22] =	ssyncadd.s32 s3;
	_ =	sdelay $0x1  }
0xa1: {  	s23 =	simm.s32 $0x1B8B  }
0xa2: {  	_ =	swait.ge [sflag:s23], $0x1  }
0xa3: {  	[sflag:s23] =	ssyncset.done $0x0  }
0xa4: {  	s25 =	simm.s32 $0x1B8E;
	s24 =	sld [smem:$0x3FFE];
	[sflag:s23] =	ssyncadd.s32 $0xFFFFFFFF  }
0xa5: {  	s26 =	simm.s32 $execute0_lowered;
	[smem:$0x3FD2] =	sst s25  }
0xa6: {  	s4 =	sshll.u32 s26, $0x1;
	_ =	strace $0x80000046;
	[dreg:$0x1] =	wrdreg $0xFFFFFFFF  }
0xa7: {  	s28 =	simm.s32 $_size_execute0_lowered;
	s2 =	sadd.s32 s2, s4;
	[dreg:$0x0] =	wrdreg $0x0  }
0xa8: {  	s4 =	sshll.u32 s28, $0x1;
	[dreg:$0x2] =	wrdreg s2  }
0xa9: {  	[dreg:$0x3] =	wrdreg s4  }
0xaa: {  	[dreg:$0x4] =	wrdreg $0xC0  }
0xab: {  	_ =	task [dreg:s6], $0x5FFFF  }
0xac: {  	[dreg:$0x1] =	wrdreg $0xFFFFFFFF  }
0xad: {  	[dreg:$0x0] =	wrdreg $0x60  }
0xae: {  	[dreg:$0x2] =	wrdreg s24  }
0xaf: {  	[dreg:$0x3] =	wrdreg $0x9  }
0xb0: {  	_ =	task.clear_ibuf [dreg:s6], $0x4FFFF;
	_ =	strace $0x90000046  }
0xb1: {  	s29 =	simm.s32 $0x9;
	_ =	strace $0x80000048  }
0xb2: {  	_ =	swait.ge [sflag:s29], $0x1  }
0xb3: {  	[sflag:s29] =	ssyncadd.s32 $0xFFFFFFFF  }
0xb4: {  	_ =	strace $0x90000048  }
0xb5: {  	_ =	sfence  }
0xb6: {  	s30 =	sld [smem:$0x0];
	_ =	sdelay $0x2  }
0xb7: {  	s31 =	sshll.u32 s1, $0xD;
	s1 =	sshrl.u32 s1, $0x2  }
0xb8: {  	s3 =	sand.u32 $0x4000, s31;
	s1 =	sadd.s32 s1, s30  }
0xb9: {  	s0 =	sor.u32 s3, s0;
	s1 =	sshll.u32 s1, $0x11  }
0xba: {  	s0 =	sor.u32 s1, s0  }
0xbb: {  	s0 =	sadd.s32 $0x8F2B, s0  }
0xbc: {  	[sflag:s0] =	ssyncadd.remote.s32 $0x1  }
0xbd: {  	_ =	sfence.sel $0xFFFF  }
0xbe: {  	[dreg:$0x0] =	wrdreg $0xFFFFFFFF;
	(pc) =	sbr.abs _section_cstart, $3  }
0xbf: {  	[dreg:$0x1] =	wrdreg $0xFFFFFFFF  }
0xc0: {  	_ =	task.clear_ibuf [dreg:s6], $0x2FFFF;
	_ =	strace $0x9FFFFFFF  }
0xc1: {  	(tm) =	ssettm $0x7FFFFFFF  }
tec
execute0_lowered:
.L_overlay_start_1:
0x0: {  	(tag) =	ssettag $0x1  }
0x1: {  	s4 =	rddreg [dreg:$0x0]  }
0x2: {  	s0 =	rddreg [dreg:$0x1];
	s3 =	srdreg.scid  }
0x3: {  	s2 =	simm.s32 $0x0;
	s1 =	stileid.u32;
	s7 =	simm.s32 $0x2  }
0x4: {  	s8 =	simm.s32 $0x80;
	s9 =	simm.s32 $0x1;
	s10 =	simm.s32 $0x2000  }
0x5: {  	s11 =	simm.s32 $0x0;
	s3 =	sand.u32 $0x1, s3;
	[smem:$0x7FF] =	sst s2  }
0x6: {  	s5 =	sshll.u32 s1, $0xB;
	s6 =	sshll.u32 s3, $0xA;
	s30 =	ssub.s32 $0x2, s3  }
0x7: {  	_ =	strace $0x80000047;
	s5 =	sor.u32 s6, s5;
	s31 =	sshrl.u32 s30, $0x1  }
0x8: {  	s3 =	sadd.s32 $0x8A00, s4;
	s5 =	sadd.s32 s5, s4;
	s6 =	ssub.s32 s30, s31  }
0x9: {  	s4 =	sadd.s32 $0xA00, s5;
	s5 =	sadd.s32 $0x14600, s5;
	s6 =	smax.u32 s6, $0x1  }
.LBB2_1:
0xa: {  	[tilespmem:s2], [sflag:$0x2] =	stream.linear.gather [hbm4b:s4+s2], $0x2000, $0x38;
	[tilespmem:$0x4000] =	vst v63  }
0xb: {  	_ =	swait.ge [sflag:s7], $0x2000  }
0xc: {  	[sflag:s7] =	ssyncset.done $0x0  }
0xd: {  	s12 =	simm.s32 $0x0;
	s13 =	simm.s32 $0x2000;
	[sflag:s7] =	ssyncadd.s32 $0xFFFFE000  }
0xe: {  	[tilespmem:s13], [sflag:$0x1] =	stream.indirect.gather [hbm4b:s3+s8], $0x1, s12, s8, $0xb8;
	[tilespmem:$0x4000] =	vst v63  }
0xf: {  	s12 =	simm.s32 $0x200;
	_ =	swait.ge [sflag:s9], $0x80  }
.LBB2_2:
0x10: {  	s13 =	sshra.s32 s12, $0x2;
	[sflag:s9] =	ssyncset.done $0x0;
	p0 =	sne.s32 s12, $0x7E00  }
.Ltmp0:
0x11: {  	s14 =	sadd.s32 $0x2000, s13;
	[sflag:s9] =	ssyncadd.s32 $0xFFFFFF80;
	(pc) =	sbr.rel @p0 .LBB2_2-.Ltmp0, $3  }
0x12: {  	[tilespmem:s14], [sflag:$0x1] =	stream.indirect.gather [hbm4b:s3+s8], $0x1, s13, s8, $0xb8;
	[tilespmem:$0x4000] =	vst v63  }
0x13: {  	s12 =	sadd.s32 $0x200, s12;
	_ =	sdelay $0x1  }
0x14: {  	_ =	swait.ge [sflag:s9], $0x80  }
0x15: {  	s11 =	sadd.s32 $0x1, s11  }
0x16: {  	[sflag:s9] =	ssyncset.done $0x0;
	p0 =	sne.s32 s11, s6  }
.Ltmp1:
0x17: {  	[sflag:s9] =	ssyncadd.s32 $0xFFFFFF80;
	(pc) =	sbr.rel @p0 .LBB2_1-.Ltmp1, $4  }
0x18: {  	[hbm4b:s5+s2] =	stream.linear.scatter [tilespmem:s10], [sflag:$0x2], $0x2000, $0x38;
	[tilespmem:$0x4000] =	vst v63  }
0x19: {  	_ =	swait.ge [sflag:s7], $0x2000  }
0x1a: {  	[sflag:s7] =	ssyncset.done $0x0  }
0x1b: {  	[sflag:s7] =	ssyncadd.s32 $0xFFFFE000  }
0x1c: {  	_ =	sfence.sel $0x180000  }
0x1d: {  	[bflag:$0x0] =	sbarrier.arrive $0xFFFF  }
0x1e: {  	p0 =	sne.s32 s1, $0x0;
	_ =	strace $0x90000047  }
0x1f: {  	s0 =	sadd.s32 @!p0 $0x100000, s0;
	[bflag:$0x2] =	sbarrier.arrive $0xFFFF  }
0x20: {  	[sflag:s0] =	ssyncadd.tile.s32 @!p0 $0x1;
	_ =	shalt  }
.Lfunc_end2:
_tile_overlayer_lowered:
.L_overlay_start_2:
0x21: {  	(tag) =	ssettag $0x2  }
0x22: {  	s0 =	rddreg [dreg:$0x0];
	s2 =	stileid.u32  }
0x23: {  	s1 =	rddreg [dreg:$0x1];
	p0 =	sne.s32 s2, $0x0  }
0x24: {  	s3 =	rddreg [dreg:$0x2];
	[bflag:$0x3] =	sbarrier.arrive $0xFFFF;
	s2 =	simm.s32 @!p0 $0x1C02  }
0x25: {  	[timem:s3], [sflag:s2] =	dma.local @!p0 [hbm:s0], s1  }
0x26: {  	s0 =	simm.s32 @!p0 $0x2  }
0x27: {  	_ =	swait.ge @!p0 [sflag:s0], s1  }
0x28: {  	s1 =	ssub.s32 @!p0 $0x0, s1;
	[sflag:s0] =	ssyncset.done @!p0 $0x0  }
0x29: {  	[sflag:s0] =	ssyncadd.s32 @!p0 s1  }
0x2a: {  	[bflag:$0x3] =	sbarrier.arrive $0xFFFF  }
0x2b: {  	_ =	shalt  }

</sc_bundles>
